<compile_context>
chip_gen: v7x
topology: tpu7x:2x2x1
jax: 0.10.2.dev20260603
libtpu: 0.0.44.dev20260713+nightly
codegen_flags: <defaults>
</compile_context>

<pallas_src>
import jax
import jax.numpy as jnp
from jax.experimental import pallas as pl


def _square_distance(src, dst):
    d = -2.0 * jnp.matmul(src, jnp.swapaxes(dst, 1, 2))
    d = d + jnp.sum(src ** 2, axis=-1)[:, :, None]
    d = d + jnp.sum(dst ** 2, axis=-1)[:, None, :]
    return d


def _index_points(points, idx):
    return jax.vmap(lambda p, i: p[i])(points, idx)


def _fps(xyz, npoint):
    b, n, _ = xyz.shape
    distance = jnp.full((b, n), 1e10, dtype=xyz.dtype)
    farthest = jnp.zeros((b,), dtype=jnp.int32)
    centroids = jnp.zeros((b, npoint), dtype=jnp.int32)
    def body(i, state):
        cents, dist_all, far = state
        cents = cents.at[:, i].set(far)
        centroid = xyz[jnp.arange(b), far][:, None, :]
        d = jnp.sum((xyz - centroid) ** 2, axis=-1)
        dist_all = jnp.minimum(dist_all, d)
        far = jnp.argmax(dist_all, axis=-1).astype(jnp.int32)
        return (cents, dist_all, far)
    centroids, _, _ = jax.lax.fori_loop(0, npoint, body, (centroids, distance, farthest))
    return centroids


def _query_ball(radius, nsample, xyz, new_xyz):
    b, n, _ = xyz.shape
    s = new_xyz.shape[1]
    sqrdists = _square_distance(new_xyz, xyz)
    group_idx = jnp.broadcast_to(jnp.arange(n, dtype=jnp.int32), (b, s, n))
    group_idx = jnp.where(sqrdists > radius ** 2, n, group_idx)
    group_idx = jnp.sort(group_idx, axis=-1)[:, :, :nsample]
    group_first = jnp.broadcast_to(group_idx[:, :, :1], group_idx.shape)
    group_idx = jnp.where(group_idx == n, group_first, group_idx)
    return jnp.minimum(group_idx, n - 1)


def _batchnorm(x, gamma, beta, eps=1e-5):
    axes = tuple(range(x.ndim - 1))
    mean = jnp.mean(x, axis=axes, keepdims=True)
    var = jnp.var(x, axis=axes, keepdims=True)
    return gamma * (x - mean) / jnp.sqrt(var + eps) + beta


def _mlp(h, layers):
    for lyr in layers:
        h = jnp.matmul(h, lyr['W'].T) + lyr['b']
        h = jax.nn.relu(_batchnorm(h, lyr['gamma'], lyr['beta']))
    return h


def _sa(xyz, points, layers, npoint, radius, nsample):
    fps_idx = _fps(xyz, npoint)
    new_xyz = _index_points(xyz, fps_idx)
    idx = _query_ball(radius, nsample, xyz, new_xyz)
    grouped_xyz = _index_points(xyz, idx) - new_xyz[:, :, None, :]
    grouped_points = _index_points(points, idx)
    new_points = jnp.concatenate([grouped_xyz, grouped_points], axis=-1)
    h = _mlp(new_points, layers)
    return new_xyz, jnp.max(h, axis=2)


def _fp(xyz1, xyz2, points1, points2, layers):
    dists = _square_distance(xyz1, xyz2)
    negv, idx = jax.lax.top_k(-dists, 3)
    d3 = jnp.maximum(-negv, 0.0)
    w = 1.0 / (d3 + 1e-8)
    w = w / jnp.sum(w, axis=2, keepdims=True)
    interp = jnp.sum(_index_points(points2, idx) * w[..., None], axis=2)
    new_points = interp if points1 is None else jnp.concatenate([points1, interp], axis=-1)
    return _mlp(new_points, layers)


def _head_kernel(h_ref, w_ref, b_ref, o_ref):
    o_ref[...] = (jnp.dot(h_ref[0], w_ref[...],
                          preferred_element_type=jnp.float32)
                  + b_ref[...])[None]


def kernel(xyz, params):
    l0_xyz = xyz[:, :, :3]
    l0_points = xyz
    l1_xyz, l1_points = _sa(l0_xyz, l0_points, params['sa1'], 1024, 0.1, 32)
    l2_xyz, l2_points = _sa(l1_xyz, l1_points, params['sa2'], 256, 0.2, 32)
    l3_xyz, l3_points = _sa(l2_xyz, l2_points, params['sa3'], 64, 0.4, 32)
    l4_xyz, l4_points = _sa(l3_xyz, l3_points, params['sa4'], 16, 0.8, 32)
    l3_points = _fp(l3_xyz, l4_xyz, l3_points, l4_points, params['fp4'])
    l2_points = _fp(l2_xyz, l3_xyz, l2_points, l3_points, params['fp3'])
    l1_points = _fp(l1_xyz, l2_xyz, l1_points, l2_points, params['fp2'])
    l0_points = _fp(l0_xyz, l1_xyz, None, l1_points, params['fp1'])
    h = jnp.matmul(l0_points, params['conv1']['W'].T) + params['conv1']['b']
    h = jax.nn.relu(_batchnorm(h, params['bn1']['gamma'], params['bn1']['beta']))
    B, N = h.shape[0], h.shape[1]
    w2 = params['conv2']['W'].T
    b2 = params['conv2']['b']
    x = pl.pallas_call(
        _head_kernel,
        grid=(B,),
        in_specs=[pl.BlockSpec((1, N, 128), lambda i: (i, 0, 0)),
                  pl.BlockSpec((128, 13), lambda i: (0, 0)),
                  pl.BlockSpec((13,), lambda i: (0,))],
        out_specs=pl.BlockSpec((1, N, 13), lambda i: (i, 0, 0)),
        out_shape=jax.ShapeDtypeStruct((B, N, 13), jnp.float32),
    )(h, w2, b2)
    return jnp.transpose(x, (0, 2, 1)), l4_points

# --- scband reference (transcript-rebuilt; emitter-appended) ---
"""Pipeline reference for scband-point-net2-a-6682969112987 (READ-ONLY COPY).

The authoritative reference and input builder live on the scoring server;
editing this copy changes nothing except your own understanding.
"""

import jax, jax.numpy as jnp
import numpy as np

B, N, C_IN = 8, 4096, 6
NUM_CLASSES = 13

def square_distance(src, dst):
    d = -2.0 * jnp.matmul(src, jnp.swapaxes(dst, 1, 2))
    d = d + jnp.sum(src ** 2, axis=-1)[:, :, None]
    d = d + jnp.sum(dst ** 2, axis=-1)[:, None, :]
    return d

def index_points(points, idx):
    return jax.vmap(lambda p, i: p[i])(points, idx)

def farthest_point_sample(xyz, npoint):
    xyz = jax.lax.stop_gradient(xyz)
    b, n, _ = xyz.shape
    distance = jnp.full((b, n), 1e10, dtype=xyz.dtype)
    farthest = jnp.zeros((b,), dtype=jnp.int32)
    centroids = jnp.zeros((b, npoint), dtype=jnp.int32)
    def body(i, state):
        cents, dist_all, far = state
        cents = cents.at[:, i].set(far)
        centroid = xyz[jnp.arange(b), far][:, None, :]
        d = jnp.sum((xyz - centroid) ** 2, axis=-1)
        dist_all = jnp.minimum(dist_all, d)
        far = jnp.argmax(dist_all, axis=-1).astype(jnp.int32)
        return (cents, dist_all, far)
    centroids, _, _ = jax.lax.fori_loop(0, npoint, body, (centroids, distance, farthest))
    return centroids

def query_ball_point(radius, nsample, xyz, new_xyz):
    b, n, _ = xyz.shape
    s = new_xyz.shape[1]
    sqrdists = jax.lax.stop_gradient(square_distance(new_xyz, xyz))
    group_idx = jnp.broadcast_to(jnp.arange(n, dtype=jnp.int32), (b, s, n))
    group_idx = jnp.where(sqrdists > radius ** 2, n, group_idx)
    group_idx = jnp.sort(group_idx, axis=-1)[:, :, :nsample]
    group_first = jnp.broadcast_to(group_idx[:, :, :1], group_idx.shape)
    group_idx = jnp.where(group_idx == n, group_first, group_idx)
    return jnp.minimum(group_idx, n - 1)

def batchnorm(x, gamma, beta, eps=1e-5):
    axes = tuple(range(x.ndim - 1))
    mean = jnp.mean(x, axis=axes, keepdims=True)
    var = jnp.var(x, axis=axes, keepdims=True)
    return gamma * (x - mean) / jnp.sqrt(var + eps) + beta

def mlp_apply(h, layers):
    for lyr in layers:
        h = jnp.matmul(h, lyr['W'].T) + lyr['b']
        h = jax.nn.relu(batchnorm(h, lyr['gamma'], lyr['beta']))
    return h

def set_abstraction(xyz, points, layers, npoint, radius, nsample):
    fps_idx = farthest_point_sample(xyz, npoint)
    new_xyz = index_points(xyz, fps_idx)
    idx = query_ball_point(radius, nsample, xyz, new_xyz)
    grouped_xyz = index_points(xyz, idx) - new_xyz[:, :, None, :]
    grouped_points = index_points(points, idx)
    new_points = jnp.concatenate([grouped_xyz, grouped_points], axis=-1)
    h = mlp_apply(new_points, layers)
    return new_xyz, jnp.max(h, axis=2)

def feature_propagation(xyz1, xyz2, points1, points2, layers):
    dists = square_distance(xyz1, xyz2)
    negv, idx = jax.lax.top_k(-dists, 3)
    d3 = jnp.maximum(-negv, 0.0)
    w = 1.0 / (d3 + 1e-8)
    w = w / jnp.sum(w, axis=2, keepdims=True)
    interp = jnp.sum(index_points(points2, idx) * w[..., None], axis=2)
    new_points = interp if points1 is None else jnp.concatenate([points1, interp], axis=-1)
    return mlp_apply(new_points, layers)

def pointnet2a_forward(xyz, params):
    l0_xyz = xyz[:, :, :3]
    l0_points = xyz
    l1_xyz, l1_points = set_abstraction(l0_xyz, l0_points, params['sa1'], 1024, 0.1, 32)
    l2_xyz, l2_points = set_abstraction(l1_xyz, l1_points, params['sa2'], 256, 0.2, 32)
    l3_xyz, l3_points = set_abstraction(l2_xyz, l2_points, params['sa3'], 64, 0.4, 32)
    l4_xyz, l4_points = set_abstraction(l3_xyz, l3_points, params['sa4'], 16, 0.8, 32)
    l3_points = feature_propagation(l3_xyz, l4_xyz, l3_points, l4_points, params['fp4'])
    l2_points = feature_propagation(l2_xyz, l3_xyz, l2_points, l3_points, params['fp3'])
    l1_points = feature_propagation(l1_xyz, l2_xyz, l1_points, l2_points, params['fp2'])
    l0_points = feature_propagation(l0_xyz, l1_xyz, None, l1_points, params['fp1'])
    h = jnp.matmul(l0_points, params['conv1']['W'].T) + params['conv1']['b']
    h = jax.nn.relu(batchnorm(h, params['bn1']['gamma'], params['bn1']['beta']))
    # dropout: identity (eval mode)
    x = jnp.matmul(h, params['conv2']['W'].T) + params['conv2']['b']
    return jnp.transpose(x, (0, 2, 1)), l4_points

def _mlp_params(key, in_ch, channels):
    layers = []
    for out_ch in channels:
        key, k1 = jax.random.split(key)
        layers.append({'W': jax.random.normal(k1, (out_ch, in_ch), jnp.float32) / float(np.sqrt(in_ch)),
                       'b': jnp.zeros((out_ch,), jnp.float32),
                       'gamma': jnp.ones((out_ch,), jnp.float32),
                       'beta': jnp.zeros((out_ch,), jnp.float32)})
        in_ch = out_ch
    return key, layers

def setup_inputs(seed: int = 0):
    key = jax.random.key(seed)
    key, kx = jax.random.split(key)
    xyz = jax.random.uniform(kx, (B, N, C_IN), jnp.float32)
    params = {}
    key, params['sa1'] = _mlp_params(key, C_IN + 3, [32, 32, 64])
    key, params['sa2'] = _mlp_params(key, 64 + 3, [64, 64, 128])
    key, params['sa3'] = _mlp_params(key, 128 + 3, [128, 128, 256])
    key, params['sa4'] = _mlp_params(key, 256 + 3, [256, 256, 512])
    key, params['fp4'] = _mlp_params(key, 768, [256, 256])
    key, params['fp3'] = _mlp_params(key, 384, [256, 256])
    key, params['fp2'] = _mlp_params(key, 320, [256, 128])
    key, params['fp1'] = _mlp_params(key, 128, [128, 128, 128])
    key, kc1, kc2 = jax.random.split(key, 3)
    params['conv1'] = {'W': jax.random.normal(kc1, (128, 128), jnp.float32) / float(np.sqrt(128)),
                       'b': jnp.zeros((128,), jnp.float32)}
    params['bn1'] = {'gamma': jnp.ones((128,), jnp.float32), 'beta': jnp.zeros((128,), jnp.float32)}
    params['conv2'] = {'W': jax.random.normal(kc2, (NUM_CLASSES, 128), jnp.float32) / float(np.sqrt(128)),
                       'b': jnp.zeros((NUM_CLASSES,), jnp.float32)}
    return {'xyz': xyz, 'params': params}

def reference(xyz, params):
    return pointnet2a_forward(xyz, params)

if __name__ == "__main__":
    import jax
    _d = setup_inputs()
    print(jax.jit(kernel)(*tuple(_d.values())))

</pallas_src>

<mosaic_0001>
module attributes {stable_mosaic.version = 14 : i64} {
  func.func @_head_kernel(%arg0: i32, %arg1: memref<1x4096x128xf32, #tpu.memory_space<vmem>>, %arg2: memref<128x13xf32, #tpu.memory_space<vmem>>, %arg3: memref<13xf32, #tpu.memory_space<vmem>>, %arg4: memref<1x4096x13xf32, #tpu.memory_space<vmem>>) attributes {dimension_semantics = [#tpu.dimension_semantics<arbitrary>], iteration_bounds = array<i64: 8>, scalar_prefetch = 0 : i64, scratch_operands = 0 : i64, tpu.core_type = #tpu.core_type<tc>, window_params = [{transform_indices = @transform_0, window_bounds = array<i64: 1, 4096, 128>}, {pipeline_mode = #tpu.pipeline_mode<synchronous>, transform_indices = @transform_1, window_bounds = array<i64: 128, 13>}, {pipeline_mode = #tpu.pipeline_mode<synchronous>, transform_indices = @transform_2, window_bounds = array<i64: 13>}, {transform_indices = @transform_3, window_bounds = array<i64: 1, 4096, 13>}]} {
    %get3A = arith.constant 0 : index
    %get3A_0 = arith.constant 0 : index
    %get3A_1 = arith.constant 0 : index
    %get3A_2 = vector.load %arg1[%get3A, %get3A_0, %get3A_1] : memref<1x4096x128xf32, #tpu.memory_space<vmem>>, vector<1x4096x128xf32>
    %get3A_3 = vector.shape_cast %get3A_2 : vector<1x4096x128xf32> to vector<4096x128xf32>
    %get3A_4 = arith.constant 0 : index
    %get3A_5 = arith.constant 0 : index
    %get3A_6 = vector.load %arg2[%get3A_4, %get3A_5] : memref<128x13xf32, #tpu.memory_space<vmem>>, vector<128x13xf32>
    %dot_general3A = arith.constant dense<0.000000e+00> : vector<4096x13xf32>
    %dot_general3A_7 = tpu.matmul %get3A_3, %get3A_6, %dot_general3A {dimension_numbers = #tpu.dot_dimension_numbers<[1], [0], [0], [1], [0, 0, 1, 1], [], []>, transpose_lhs_hint = false} : vector<4096x128xf32>, vector<128x13xf32>, vector<4096x13xf32> -> vector<4096x13xf32>
    %get3A_8 = arith.constant 0 : index
    %get3A_9 = vector.load %arg3[%get3A_8] : memref<13xf32, #tpu.memory_space<vmem>>, vector<13xf32>
    %broadcast_in_dim3A = vector.shape_cast %get3A_9 : vector<13xf32> to vector<1x13xf32>
    %add3A = vector.broadcast %broadcast_in_dim3A : vector<1x13xf32> to vector<4096x13xf32>
    %add3A_10 = arith.addf %dot_general3A_7, %add3A : vector<4096x13xf32>
    %broadcast_in_dim3A_11 = vector.shape_cast %add3A_10 : vector<4096x13xf32> to vector<1x4096x13xf32>
    %swap3A = arith.constant 0 : index
    %swap3A_12 = arith.constant 0 : index
    %swap3A_13 = arith.constant 0 : index
    %swap3A_14 = vector.load %arg4[%swap3A, %swap3A_12, %swap3A_13] : memref<1x4096x13xf32, #tpu.memory_space<vmem>>, vector<1x4096x13xf32>
    tpu.vector_store %arg4[%swap3A, %swap3A_12, %swap3A_13], %broadcast_in_dim3A_11 {strides = array<i32>} : memref<1x4096x13xf32, #tpu.memory_space<vmem>>, vector<1x4096x13xf32>,
    return
  }
  func.func @transform_0(%arg0: i32) -> (i32, i32, i32) {
    %c0_i32 = arith.constant 0 : i32
    %c0_i32_0 = arith.constant 0 : i32
    %c0_i32_1 = arith.constant 0 : i32
    return %arg0, %c0_i32, %c0_i32_0 : i32, i32, i32
  }
  func.func @transform_1(%arg0: i32) -> (i32, i32) {
    %c0_i32 = arith.constant 0 : i32
    %c0_i32_0 = arith.constant 0 : i32
    %c0_i32_1 = arith.constant 0 : i32
    return %c0_i32, %c0_i32_0 : i32, i32
  }
  func.func @transform_2(%arg0: i32) -> i32 {
    %c0_i32 = arith.constant 0 : i32
    %c0_i32_0 = arith.constant 0 : i32
    return %c0_i32 : i32
  }
  func.func @transform_3(%arg0: i32) -> (i32, i32, i32) {
    %c0_i32 = arith.constant 0 : i32
    %c0_i32_0 = arith.constant 0 : i32
    %c0_i32_1 = arith.constant 0 : i32
    return %arg0, %c0_i32, %c0_i32_0 : i32, i32, i32
  }
}

</mosaic_0001>

<sc_bundles>
// kernel: gather_offload_async_start.1
scs
__scs_entry_jumppad:
0x0: {  	(pc) =	sbr.rel $0x88, $3  }
0x1: {  	(tag) =	ssettag $0x0;
	lr =	simm.s32 $0x1  }
0x2: {  	[smem:$0x3F46] =	sst lr;
	_ =	strace $0xD0000000  }
0x3: {  	_ = 	snop  }
0x4: {  	_ = 	snop  }
0x5: {  	_ = 	snop  }
0x6: {  	_ = 	snop  }
0x7: {  	_ = 	snop  }
__scs_overlays_trampoline_lowered:
0x8: {  	[smem:$0x3F55] =	sst s0  }
0x9: {  	[smem:$0x3F56] =	sst s1  }
0xa: {  	[smem:$0x3F57] =	sst s2  }
0xb: {  	[smem:$0x3F58] =	sst s3  }
0xc: {  	[smem:$0x3F59] =	sst s4  }
0xd: {  	[smem:$0x3F5A] =	sst s5  }
0xe: {  	[smem:$0x3F5B] =	sst s6  }
0xf: {  	[smem:$0x3F5C] =	sst s7  }
0x10: {  	[smem:$0x3F5D] =	sst s8  }
0x11: {  	[smem:$0x3F5E] =	sst s9;
	s0 =	simm.s32 @!p0 $0x0  }
0x12: {  	s1 =	sld [smem:$0x3F44];
	s0 =	simm.s32 @p0 $0x1  }
0x13: {  	[smem:$0x3F5F] =	sst s0;
	s0 =	simm.s32 @!p1 $0x0  }
0x14: {  	s2 =	sld [smem:$0x3F43];
	s0 =	simm.s32 @p1 $0x1  }
0x15: {  	[smem:$0x3F60] =	sst s0;
	s0 =	simm.s32 @!p2 $0x0  }
0x16: {  	s3 =	sld [smem:$0x3FDB];
	s0 =	simm.s32 @p2 $0x1  }
0x17: {  	s4 =	simm.s32 $0x1BF5;
	[smem:$0x3F62] =	sst s0  }
0x18: {  	s0 =	sld [smem:$0x3F45];
	_ =	swait.ge [sflag:s4], $0x0  }
0x19: {  	s7 =	sld [smem:$0x3F46]  }
0x1a: {  	s8 =	sadd.s32 $0xFFFFE003, lr  }
0x1b: {  	s9 =	sadd.s32 $0xFFFFFEF7, lr;
	s5 =	simm.s32 $0xFFFFFFFF;
	p2 =	slt.u32 s8, $0xFFFFF086  }
0x1c: {  	p1 =	slt.u32 s9, $0xF7A;
	s5 =	simm.s32 @!p2 $0x0  }
0x1d: {  	s5 =	simm.s32 @p1 $0x1;
	p0 =	seq.s32 s7, s2  }
0x1e: {  	s7 =	smul.u32 @!p0 $0xF7A, s2;
	p2 =	seq.s32 @!p0 s5, $0x0  }
0x1f: {  	s9 =	smul.u32 $0xF7A, s1;
	s8 =	simm.s32 @!p0 $0x1BF5;
	p2 =	por !p2, p0  }
0x20: {  	[sflag:s8] =	ssyncset.s32 @!p0 $0xFFFFF086;
	s6 =	sadd.s32 @!p0 s3, s7;
	s7 =	simm.s32 @!p0 $0x108  }
0x21: {  	s3 =	sadd.s32 s3, s9;
	s6 =	sadd.s32 @!p0 $0x88, s6;
	s7 =	simm.s32 @p2 $0x1082  }
0x22: {  	[simem:s7], [sflag:s8] =	dma.local @!p0 [hbm:s6], $0xF7A  }
0x23: {  	s9 =	sor.u32 $0xD0000000, s2;
	s6 =	simm.s32 $0x108;
	_ =	swait.ge @!p0 [sflag:s8], $0x0  }
0x24: {  	s3 =	sadd.s32 $0x88, s3;
	s6 =	simm.s32 @!p1 $0x1082;
	[sflag:s4] =	ssyncset.s32 $0xFFFFF086  }
0x25: {  	[simem:s6], [sflag:s4] =	dma.local [hbm:s3], $0xF7A  }
0x26: {  	[smem:$0x3F46] =	sst s1;
	(tag) =	ssettag s2;
	_ =	strace s9  }
0x27: {  	s1 =	sld [smem:$0x3F56]  }
0x28: {  	s2 =	sld [smem:$0x3F57]  }
0x29: {  	s4 =	sld [smem:$0x3F59]  }
0x2a: {  	p0 =	seq.s32 s5, $0x0;
	s5 =	sld [smem:$0x3F5A]  }
0x2b: {  	s6 =	sld [smem:$0x3F5B]  }
0x2c: {  	s7 =	sld [smem:$0x3F5C]  }
0x2d: {  	s3 =	simm.s32 $0x108;
	s8 =	sld [smem:$0x3F5D]  }
0x2e: {  	s3 =	simm.s32 @!p0 $0x1082;
	s9 =	sld [smem:$0x3F5E]  }
0x2f: {  	lr =	sadd.s32 s0, s3;
	s0 =	sld [smem:$0x3F55]  }
0x30: {  	s3 =	sld [smem:$0x3F58]  }
0x31: {  	[smem:$0x3F61] =	sst s10  }
0x32: {  	s10 =	sld [smem:$0x3F5F];
	_ =	sdelay $0x3  }
0x33: {  	p0 =	seq.s32 s10, $0x1;
	s10 =	sld [smem:$0x3F61];
	_ =	sdelay $0x3  }
0x34: {  	[smem:$0x3F61] =	sst s10  }
0x35: {  	s10 =	sld [smem:$0x3F60];
	_ =	sdelay $0x3  }
0x36: {  	p1 =	seq.s32 s10, $0x1;
	s10 =	sld [smem:$0x3F61];
	_ =	sdelay $0x3  }
0x37: {  	[smem:$0x3F61] =	sst s10  }
0x38: {  	s10 =	sld [smem:$0x3F62]  }
0x39: {  	_ = 	snop;
	(pc) =	sbr.ind lr, $3  }
0x3a: {  	_ = 	snop  }
0x3b: {  	_ = 	snop  }
0x3c: {  	p2 =	seq.s32 s10, $0x1;
	s10 =	sld [smem:$0x3F61]  }
0x3d: {  	_ =	shalt  }
0x3e: {  	_ =	shalt  }
0x3f: {  	_ =	shalt  }
0x40: {  	_ =	shalt  }
0x41: {  	_ =	shalt  }
0x42: {  	_ =	shalt  }
0x43: {  	_ =	shalt  }
0x44: {  	_ =	shalt  }
0x45: {  	_ =	shalt  }
0x46: {  	_ =	shalt  }
0x47: {  	_ =	shalt  }
0x48: {  	_ =	shalt  }
0x49: {  	_ =	shalt  }
0x4a: {  	_ =	shalt  }
0x4b: {  	_ =	shalt  }
0x4c: {  	_ =	shalt  }
0x4d: {  	_ =	shalt  }
0x4e: {  	_ =	shalt  }
0x4f: {  	_ =	shalt  }
0x50: {  	_ =	shalt  }
0x51: {  	_ =	shalt  }
0x52: {  	_ =	shalt  }
0x53: {  	_ =	shalt  }
0x54: {  	_ =	shalt  }
0x55: {  	_ =	shalt  }
0x56: {  	_ =	shalt  }
0x57: {  	_ =	shalt  }
0x58: {  	_ =	shalt  }
0x59: {  	_ =	shalt  }
0x5a: {  	_ =	shalt  }
0x5b: {  	_ =	shalt  }
0x5c: {  	_ =	shalt  }
0x5d: {  	_ =	shalt  }
0x5e: {  	_ =	shalt  }
0x5f: {  	_ =	shalt  }
0x60: {  	_ =	shalt  }
0x61: {  	_ =	shalt  }
0x62: {  	_ =	shalt  }
0x63: {  	_ =	shalt  }
0x64: {  	_ =	shalt  }
0x65: {  	_ =	shalt  }
0x66: {  	_ =	shalt  }
0x67: {  	_ =	shalt  }
0x68: {  	_ =	shalt  }
0x69: {  	_ =	shalt  }
0x6a: {  	_ =	shalt  }
0x6b: {  	_ =	shalt  }
0x6c: {  	_ =	shalt  }
0x6d: {  	_ =	shalt  }
0x6e: {  	_ =	shalt  }
0x6f: {  	_ =	shalt  }
0x70: {  	_ =	shalt  }
0x71: {  	_ =	shalt  }
0x72: {  	_ =	shalt  }
0x73: {  	_ =	shalt  }
0x74: {  	_ =	shalt  }
0x75: {  	_ =	shalt  }
0x76: {  	_ =	shalt  }
0x77: {  	_ =	shalt  }
0x78: {  	_ =	shalt  }
0x79: {  	_ =	shalt  }
0x7a: {  	_ =	shalt  }
0x7b: {  	_ =	shalt  }
0x7c: {  	_ =	shalt  }
0x7d: {  	_ =	shalt  }
0x7e: {  	_ =	shalt  }
0x7f: {  	_ =	shalt  }
0x80: {  	_ =	shalt  }
0x81: {  	_ =	shalt  }
0x82: {  	_ =	shalt  }
0x83: {  	_ =	shalt  }
0x84: {  	_ =	shalt  }
0x85: {  	_ =	shalt  }
0x86: {  	_ =	shalt  }
0x87: {  	_ =	shalt  }
.Lfunc_end0:
.L_simem_size_0:
called_computation.1_lowered:
.L_overlay_start_0:
0x88: {  	s2 =	sld [smem:$0x3FD9]  }
0x89: {  	s3 =	sld [smem:$0x3FFE];
	_ =	sdelay $0x1  }
0x8a: {  	s1 =	srdreg.scid  }
0x8b: {  	s0 =	sand.u32 $0x1, s1  }
0x8c: {  	s16 =	sshll.u32 s0, $0xA;
	s2 =	sadd.s32 s3, s2  }
0x8d: {  	s2 =	sadd.s32 s2, s16  }
0x8e: {  	[smem:$0x3F6D] =	sst s2  }
0x8f: {  	_ = 	snop  }
0x90: {  	(tm) =	ssettm $0x1  }
0x91: {  	s17 =	sld [smem:$0x3FFB];
	_ =	sdelay $0x3  }
0x92: {  	_ =	strace s17  }
0x93: {  	s2 =	sld [smem:$0x3FFC];
	_ =	sdelay $0x3  }
0x94: {  	_ =	strace s2  }
0x95: {  	s2 =	sld [smem:$0x3FFD];
	_ =	sdelay $0x3  }
0x96: {  	_ =	strace s2  }
0x97: {  	_ =	strace $0x8FFFFFFF  }
0x98: {  	s18 =	sld [smem:$0x3FDB];
	_ =	sdelay $0x1  }
0x99: {  	s19 =	simm.s32 $_scs_section_size  }
0x9a: {  	s4 =	simm.s32 $_size__tile_overlayer_lowered;
	s5 =	simm.s32 $_tile_overlayer_lowered  }
0x9b: {  	s22 =	simm.s32 $0x1BFF;
	s21 =	sshll.u32 s5, $0x1;
	s2 =	sadd.s32 s19, s18  }
0x9c: {  	s6 =	simm.s32 $0x0;
	s20 =	sshll.u32 s4, $0x1;
	s4 =	sadd.s32 s21, s2  }
0x9d: {  	[timem:s6], [sflag:s22] =	dma.local [hbm:s4], s20  }
0x9e: {  	_ =	swait.ge [sflag:s22], s20  }
0x9f: {  	s3 =	ssub.s32 $0x0, s20;
	[sflag:s22] =	ssyncset.done $0x0  }
0xa0: {  	[sflag:s22] =	ssyncadd.s32 s3;
	_ =	sdelay $0x1  }
0xa1: {  	s23 =	simm.s32 $0x1B8B  }
0xa2: {  	_ =	swait.ge [sflag:s23], $0x1  }
0xa3: {  	[sflag:s23] =	ssyncset.done $0x0  }
0xa4: {  	s25 =	simm.s32 $0x1B8E;
	s24 =	sld [smem:$0x3FFE];
	[sflag:s23] =	ssyncadd.s32 $0xFFFFFFFF  }
0xa5: {  	s26 =	simm.s32 $execute0_lowered;
	[smem:$0x3FD2] =	sst s25  }
0xa6: {  	s4 =	sshll.u32 s26, $0x1;
	_ =	strace $0x80000049;
	[dreg:$0x1] =	wrdreg $0xFFFFFFFF  }
0xa7: {  	s28 =	simm.s32 $_size_execute0_lowered;
	s2 =	sadd.s32 s2, s4;
	[dreg:$0x0] =	wrdreg $0x0  }
0xa8: {  	s4 =	sshll.u32 s28, $0x1;
	[dreg:$0x2] =	wrdreg s2  }
0xa9: {  	[dreg:$0x3] =	wrdreg s4  }
0xaa: {  	[dreg:$0x4] =	wrdreg $0xC0  }
0xab: {  	_ =	task [dreg:s6], $0x5FFFF  }
0xac: {  	[dreg:$0x1] =	wrdreg $0xFFFFFFFF  }
0xad: {  	[dreg:$0x0] =	wrdreg $0x60  }
0xae: {  	[dreg:$0x2] =	wrdreg s24  }
0xaf: {  	[dreg:$0x3] =	wrdreg $0x9  }
0xb0: {  	_ =	task.clear_ibuf [dreg:s6], $0x4FFFF;
	_ =	strace $0x90000049  }
0xb1: {  	s29 =	simm.s32 $0x9;
	_ =	strace $0x8000004B  }
0xb2: {  	_ =	swait.ge [sflag:s29], $0x1  }
0xb3: {  	[sflag:s29] =	ssyncadd.s32 $0xFFFFFFFF  }
0xb4: {  	_ =	strace $0x9000004B  }
0xb5: {  	_ =	sfence  }
0xb6: {  	s30 =	sld [smem:$0x0];
	_ =	sdelay $0x2  }
0xb7: {  	s31 =	sshll.u32 s1, $0xD;
	s1 =	sshrl.u32 s1, $0x2  }
0xb8: {  	s3 =	sand.u32 $0x4000, s31;
	s1 =	sadd.s32 s1, s30  }
0xb9: {  	s0 =	sor.u32 s3, s0;
	s1 =	sshll.u32 s1, $0x11  }
0xba: {  	s0 =	sor.u32 s1, s0  }
0xbb: {  	s0 =	sadd.s32 $0x8F2B, s0  }
0xbc: {  	[sflag:s0] =	ssyncadd.remote.s32 $0x1  }
0xbd: {  	_ =	sfence.sel $0xFFFF  }
0xbe: {  	[dreg:$0x0] =	wrdreg $0xFFFFFFFF;
	(pc) =	sbr.abs _section_cstart, $3  }
0xbf: {  	[dreg:$0x1] =	wrdreg $0xFFFFFFFF  }
0xc0: {  	_ =	task.clear_ibuf [dreg:s6], $0x2FFFF;
	_ =	strace $0x9FFFFFFF  }
0xc1: {  	(tm) =	ssettm $0x7FFFFFFF  }
tec
execute0_lowered:
.L_overlay_start_1:
0x0: {  	(tag) =	ssettag $0x1  }
0x1: {  	s7 =	rddreg [dreg:$0x0]  }
0x2: {  	s0 =	rddreg [dreg:$0x1];
	_ =	strace $0x8000004A  }
0x3: {  	s1 =	srdreg.scid;
	s4 =	simm.s32 $0x1;
	s9 =	simm.s32 $0x3  }
0x4: {  	s12 =	simm.s32 $0x0;
	s10 =	simm.s32 $0x0;
	s5 =	sshll.u32 s1, $0x4  }
.Ltmp0:
0x5: {  	s1 =	stileid.u32;
	s5 =	sand.u32 $0x10, s5;
	(pc) =	sbr.rel .LBB2_1-.Ltmp0, $4  }
0x6: {  	s2 =	sadd.s32 $0x80200, s7;
	s3 =	sadd.s32 $0xE1800, s7;
	s6 =	sor.u32 s1, s5  }
0x7: {  	[sflag:s4] =	ssyncpa.u1 $0x0;
	s5 =	simm.s32 $0x2;
	s6 =	sshll.u32 s6, $0x6  }
0x8: {  	s7 =	sadd.s32 $0xA8C00, s7;
	[sflag:s5] =	ssyncpa.u1 $0x0;
	s8 =	sadd.s32 $0x40, s6  }
0x9: {  	vm0 =	vmmov $0xff;
	vm1 =	vcmask $0x3F20;
	[sflag:s9] =	ssyncpa.u1 $0x0;
	s9 =	simm.s32 $0x40;
	s11 =	smov.u32 s6  }
.LBB2_9:
0xa: {  	p0 =	seq.s32 s10, $0x2  }
.Ltmp1:
0xb: {  	_ = 	snop;
	(pc) =	sbr.rel @p0 .LBB2_11-.Ltmp1, $1  }
0xc: {  	_ =	sdelay $0x3  }
.LBB2_10:
0xd: {  	s12 =	sadd.s32 $0x40, s11  }
0xe: {  	s13 =	smov.u32 s6;
	p0 =	slt.s32 s12, s8  }
0xf: {  	s13 =	smov.u32 @p0 s12  }
0x10: {  	s10 =	sadd.s32 $0x1, s10;
	s12 =	smov.u32 s11;
	s11 =	smov.u32 s13  }
.LBB2_1:
0x11: {  	p0 =	sne.s32 s10, $0x0  }
.Ltmp2:
0x12: {  	_ = 	snop;
	(pc) =	sbr.rel @!p0 .LBB2_2-.Ltmp2, $1  }
0x13: {  	_ =	sdelay $0x3  }
0x14: {  	s13 =	sand.u32 $0x1, s10  }
0x15: {  	p0 =	seq.s32 s13, $0x0  }
.Ltmp3:
0x16: {  	_ = 	snop;
	(pc) =	sbr.rel @p0 .LBB2_9-.Ltmp3, $1  }
0x17: {  	_ =	sdelay $0x3  }
0x18: {  	_ =	swait.ge [sflag:s5], $0x40  }
0x19: {  	[sflag:s5] =	ssyncset.done $0x0  }
0x1a: {  	s13 =	simm.s32 $0x0;
	[sflag:s5] =	ssyncadd.s32 $0xFFFFFFC0  }
0x1b: {  	v0 =	vld.msk [tilespmem:s13+$0x40 ss:$0x1], $0xffff;
	_ =	sdelay $0x4  }
0x1c: {  	v1 =	vshll.u32 v0, $0x4  }
0x1d: {  	vm2 =	veq.s32 v0, $0x80000000;
	v0 =	vshll.u32 v0, $0x11;
	v1 =	vand.u32 $0x1FF80, v1  }
0x1e: {  	v0 =	vand.u32 $0xE0000, v0;
	v1 =	vsel vm2, $0xFFFFFF80, v1  }
0x1f: {  	v0 =	vsel vm2, $0xFFFE0000, v0;
	v2 =	vand.u32 $0xFFFFFC00, v1  }
0x20: {  	v1 =	vand.u32 $0x380, v1;
	v0 =	vadd.s32 v0, v2  }
0x21: {  	v0 =	vor.u32 v1, v0  }
0x22: {  	v0 =	vshrl.u32 v0, $0x3;
	_ =	sdelay $0x3  }
0x23: {  	s13 =	simm.s32 $0x2080  }
0x24: {  	[tilespmem:s13], [sflag:$0x1] =	stream.indirect_vreg.gather [hbm:s2], $0x80, v0, vm0, $0x38;
	[tilespmem:$0x4080] =	vst v63  }
0x25: {  	s14 =	simm.s32 $0x2480;
	s31 =	simm.s32 $0x10  }
0x26: {  	[tilespmem:s14], [sflag:$0x1] =	stream.indirect_vreg.gather [hbm:s2], $0x80, v0, vm1, $0x38;
	[tilespmem:$0x4080] =	vst v63  }
0x27: {  	s14 =	simm.s32 $0x80;
	v0 =	vld.msk [tilespmem:s31+$0x40 ss:$0x1], $0xffff  }
.LBB2_5:
0x28: {  	p0 =	sne.s32 s14, $0xC0;
	_ =	sdelay $0x4  }
0x29: {  	v1 =	vshll.u32 v0, $0x4  }
0x2a: {  	vm2 =	veq.s32 v0, $0x80000000;
	v0 =	vshll.u32 v0, $0x11;
	v1 =	vand.u32 $0x1FF80, v1  }
0x2b: {  	v0 =	vand.u32 $0xE0000, v0;
	v1 =	vsel vm2, $0xFFFFFF80, v1  }
0x2c: {  	v0 =	vsel vm2, $0xFFFE0000, v0;
	v2 =	vand.u32 $0xFFFFFC00, v1  }
0x2d: {  	v1 =	vand.u32 $0x380, v1;
	v0 =	vadd.s32 v0, v2  }
0x2e: {  	v0 =	vor.u32 v1, v0  }
0x2f: {  	v0 =	vshrl.u32 v0, $0x3;
	_ =	sdelay $0x3  }
.Ltmp4:
0x30: {  	s13 =	sadd.s32 $0x800, s13;
	(pc) =	sbr.rel @p0 .LBB2_5-.Ltmp4, $4  }
0x31: {  	[tilespmem:s13], [sflag:$0x1] =	stream.indirect_vreg.gather [hbm:s2], $0x80, v0, vm0, $0x38;
	[tilespmem:$0x4080] =	vst v63  }
0x32: {  	s15 =	sshra.s32 s14, $0x2;
	s16 =	sadd.s32 $0x400, s13  }
0x33: {  	[tilespmem:s16], [sflag:$0x1] =	stream.indirect_vreg.gather [hbm:s2], $0x80, v0, vm1, $0x38;
	[tilespmem:$0x4080] =	vst v63  }
0x34: {  	s14 =	sadd.s32 $0x40, s14;
	v0 =	vld.msk [tilespmem:s15+$0x40 ss:$0x1], $0xffff  }
0x35: {  	_ =	sdelay $0x3  }
0x36: {  	v1 =	vshll.u32 v0, $0x4  }
0x37: {  	vm2 =	veq.s32 v0, $0x80000000;
	v63 =	vshll.u32 v0, $0x11;
	v1 =	vand.u32 $0x1FF80, v1  }
0x38: {  	v0 =	vand.u32 $0xE0000, v63;
	v1 =	vsel vm2, $0xFFFFFF80, v1  }
0x39: {  	v0 =	vsel vm2, $0xFFFE0000, v0;
	v2 =	vand.u32 $0xFFFFFC00, v1  }
0x3a: {  	v1 =	vand.u32 $0x380, v1;
	v0 =	vadd.s32 v0, v2  }
0x3b: {  	v0 =	vor.u32 v1, v0  }
0x3c: {  	v0 =	vshrl.u32 v0, $0x3;
	_ =	sdelay $0x3  }
0x3d: {  	s13 =	sadd.s32 $0x800, s13  }
0x3e: {  	[tilespmem:s13], [sflag:$0x1] =	stream.indirect_vreg.gather [hbm:s2], $0x80, v0, vm0, $0x38;
	[tilespmem:$0x4080] =	vst v63  }
0x3f: {  	s13 =	sadd.s32 $0x400, s13  }
0x40: {  	[tilespmem:s13], [sflag:$0x1] =	stream.indirect_vreg.gather [hbm:s2], $0x80, v0, vm1, $0x38;
	[tilespmem:$0x4080] =	vst v63  }
0x41: {  	s12 =	sshll.u32 s12, $0x4;
	s14 =	simm.s32 $0x80;
	_ =	swait.ge [sflag:s4], $0x2000  }
0x42: {  	s15 =	simm.s32 $0x2480;
	s12 =	sadd.s32 s12, s7;
	[sflag:s4] =	ssyncset.done $0x0  }
0x43: {  	s16 =	sadd.s32 $0x0, s12;
	s13 =	simm.s32 $0x2080;
	[sflag:s4] =	ssyncadd.s32 $0xFFFFE000  }
.LBB2_7:
0x44: {  	[hbm:s16] =	stream.linear.scatter [tilespmem:s13], [sflag:$0x3], $0x400, $0x38;
	[tilespmem:$0x4080] =	vst v63  }
0x45: {  	s16 =	smov.u32 s14;
	s13 =	smov.u32 s15;
	p0 =	sne.s32 s14, $0x380  }
.Ltmp5:
0x46: {  	s14 =	sadd.s32 $0x80, s14;
	(pc) =	sbr.rel @p0 .LBB2_7-.Ltmp5, $2  }
0x47: {  	_ =	sdelay $0x2  }
0x48: {  	s15 =	sadd.s32 $0x400, s15;
	s16 =	sadd.s32 s16, s12  }
.Ltmp6:
0x49: {  	(pc) =	sbr.rel .LBB2_9-.Ltmp6, $2  }
0x4a: {  	_ =	sdelay $0x2  }
0x4b: {  	[hbm:s16] =	stream.linear.scatter [tilespmem:s13], [sflag:$0x3], $0x400, $0x38;
	[tilespmem:$0x4080] =	vst v63  }
.LBB2_2:
.Ltmp7:
0x4c: {  	(pc) =	sbr.rel .LBB2_10-.Ltmp7, $4  }
0x4d: {  	_ = 	snop  }
0x4e: {  	s12 =	sshrl.u32 s11, $0x3  }
0x4f: {  	s13 =	sand.u32 $0x7, s11;
	s12 =	sadd.s32 s3, s12  }
0x50: {  	[tilespmem:s9], [sflag:$0x2] =	stream.linear.gather [hbm4b:s12+s13], $0x40, $0x38;
	[tilespmem:$0x4080] =	vst v63  }
.LBB2_11:
0x51: {  	s2 =	simm.s32 $0x3  }
0x52: {  	_ =	swait.ge [sflag:s2], $0x2000  }
0x53: {  	[sflag:s2] =	ssyncset.done $0x0  }
0x54: {  	[sflag:s2] =	ssyncadd.s32 $0xFFFFE000  }
0x55: {  	_ =	sfence.sel $0x180000  }
0x56: {  	s3 =	simm.s32 $0x2;
	[bflag:$0x0] =	sbarrier.arrive $0xFFFF  }
0x57: {  	[sflag:s3] =	ssyncpa.u1 $0x1  }
0x58: {  	s31 =	simm.s32 $0x1;
	[sflag:s2] =	ssyncpa.u1 $0x1  }
0x59: {  	[sflag:s31] =	ssyncpa.u1 $0x1  }
0x5a: {  	p0 =	sne.s32 s1, $0x0;
	_ =	strace $0x9000004A  }
0x5b: {  	s0 =	sadd.s32 @!p0 $0x100000, s0;
	[bflag:$0x2] =	sbarrier.arrive $0xFFFF  }
0x5c: {  	[sflag:s0] =	ssyncadd.tile.s32 @!p0 $0x1;
	_ =	shalt  }
.Lfunc_end2:
_tile_overlayer_lowered:
.L_overlay_start_2:
0x5d: {  	(tag) =	ssettag $0x2  }
0x5e: {  	s0 =	rddreg [dreg:$0x0];
	s2 =	stileid.u32  }
0x5f: {  	s1 =	rddreg [dreg:$0x1];
	p0 =	sne.s32 s2, $0x0  }
0x60: {  	s3 =	rddreg [dreg:$0x2];
	[bflag:$0x3] =	sbarrier.arrive $0xFFFF;
	s2 =	simm.s32 @!p0 $0x1C01  }
0x61: {  	[timem:s3], [sflag:s2] =	dma.local @!p0 [hbm:s0], s1  }
0x62: {  	s0 =	simm.s32 @!p0 $0x1  }
0x63: {  	_ =	swait.ge @!p0 [sflag:s0], s1  }
0x64: {  	s1 =	ssub.s32 @!p0 $0x0, s1;
	[sflag:s0] =	ssyncset.done @!p0 $0x0  }
0x65: {  	[sflag:s0] =	ssyncadd.s32 @!p0 s1  }
0x66: {  	[bflag:$0x3] =	sbarrier.arrive $0xFFFF  }
0x67: {  	_ =	shalt  }

// kernel: gather_offload_async_start
scs
__scs_entry_jumppad:
0x0: {  	(pc) =	sbr.rel $0x88, $3  }
0x1: {  	(tag) =	ssettag $0x0;
	lr =	simm.s32 $0x1  }
0x2: {  	[smem:$0x3F46] =	sst lr;
	_ =	strace $0xD0000000  }
0x3: {  	_ = 	snop  }
0x4: {  	_ = 	snop  }
0x5: {  	_ = 	snop  }
0x6: {  	_ = 	snop  }
0x7: {  	_ = 	snop  }
__scs_overlays_trampoline_lowered:
0x8: {  	[smem:$0x3F55] =	sst s0  }
0x9: {  	[smem:$0x3F56] =	sst s1  }
0xa: {  	[smem:$0x3F57] =	sst s2  }
0xb: {  	[smem:$0x3F58] =	sst s3  }
0xc: {  	[smem:$0x3F59] =	sst s4  }
0xd: {  	[smem:$0x3F5A] =	sst s5  }
0xe: {  	[smem:$0x3F5B] =	sst s6  }
0xf: {  	[smem:$0x3F5C] =	sst s7  }
0x10: {  	[smem:$0x3F5D] =	sst s8  }
0x11: {  	[smem:$0x3F5E] =	sst s9;
	s0 =	simm.s32 @!p0 $0x0  }
0x12: {  	s1 =	sld [smem:$0x3F44];
	s0 =	simm.s32 @p0 $0x1  }
0x13: {  	[smem:$0x3F5F] =	sst s0;
	s0 =	simm.s32 @!p1 $0x0  }
0x14: {  	s2 =	sld [smem:$0x3F43];
	s0 =	simm.s32 @p1 $0x1  }
0x15: {  	[smem:$0x3F60] =	sst s0;
	s0 =	simm.s32 @!p2 $0x0  }
0x16: {  	s3 =	sld [smem:$0x3FDB];
	s0 =	simm.s32 @p2 $0x1  }
0x17: {  	s4 =	simm.s32 $0x1BF5;
	[smem:$0x3F62] =	sst s0  }
0x18: {  	s0 =	sld [smem:$0x3F45];
	_ =	swait.ge [sflag:s4], $0x0  }
0x19: {  	s7 =	sld [smem:$0x3F46]  }
0x1a: {  	s8 =	sadd.s32 $0xFFFFE003, lr  }
0x1b: {  	s9 =	sadd.s32 $0xFFFFFEF7, lr;
	s5 =	simm.s32 $0xFFFFFFFF;
	p2 =	slt.u32 s8, $0xFFFFF086  }
0x1c: {  	p1 =	slt.u32 s9, $0xF7A;
	s5 =	simm.s32 @!p2 $0x0  }
0x1d: {  	s5 =	simm.s32 @p1 $0x1;
	p0 =	seq.s32 s7, s2  }
0x1e: {  	s7 =	smul.u32 @!p0 $0xF7A, s2;
	p2 =	seq.s32 @!p0 s5, $0x0  }
0x1f: {  	s9 =	smul.u32 $0xF7A, s1;
	s8 =	simm.s32 @!p0 $0x1BF5;
	p2 =	por !p2, p0  }
0x20: {  	[sflag:s8] =	ssyncset.s32 @!p0 $0xFFFFF086;
	s6 =	sadd.s32 @!p0 s3, s7;
	s7 =	simm.s32 @!p0 $0x108  }
0x21: {  	s3 =	sadd.s32 s3, s9;
	s6 =	sadd.s32 @!p0 $0x88, s6;
	s7 =	simm.s32 @p2 $0x1082  }
0x22: {  	[simem:s7], [sflag:s8] =	dma.local @!p0 [hbm:s6], $0xF7A  }
0x23: {  	s9 =	sor.u32 $0xD0000000, s2;
	s6 =	simm.s32 $0x108;
	_ =	swait.ge @!p0 [sflag:s8], $0x0  }
0x24: {  	s3 =	sadd.s32 $0x88, s3;
	s6 =	simm.s32 @!p1 $0x1082;
	[sflag:s4] =	ssyncset.s32 $0xFFFFF086  }
0x25: {  	[simem:s6], [sflag:s4] =	dma.local [hbm:s3], $0xF7A  }
0x26: {  	[smem:$0x3F46] =	sst s1;
	(tag) =	ssettag s2;
	_ =	strace s9  }
0x27: {  	s1 =	sld [smem:$0x3F56]  }
0x28: {  	s2 =	sld [smem:$0x3F57]  }
0x29: {  	s4 =	sld [smem:$0x3F59]  }
0x2a: {  	p0 =	seq.s32 s5, $0x0;
	s5 =	sld [smem:$0x3F5A]  }
0x2b: {  	s6 =	sld [smem:$0x3F5B]  }
0x2c: {  	s7 =	sld [smem:$0x3F5C]  }
0x2d: {  	s3 =	simm.s32 $0x108;
	s8 =	sld [smem:$0x3F5D]  }
0x2e: {  	s3 =	simm.s32 @!p0 $0x1082;
	s9 =	sld [smem:$0x3F5E]  }
0x2f: {  	lr =	sadd.s32 s0, s3;
	s0 =	sld [smem:$0x3F55]  }
0x30: {  	s3 =	sld [smem:$0x3F58]  }
0x31: {  	[smem:$0x3F61] =	sst s10  }
0x32: {  	s10 =	sld [smem:$0x3F5F];
	_ =	sdelay $0x3  }
0x33: {  	p0 =	seq.s32 s10, $0x1;
	s10 =	sld [smem:$0x3F61];
	_ =	sdelay $0x3  }
0x34: {  	[smem:$0x3F61] =	sst s10  }
0x35: {  	s10 =	sld [smem:$0x3F60];
	_ =	sdelay $0x3  }
0x36: {  	p1 =	seq.s32 s10, $0x1;
	s10 =	sld [smem:$0x3F61];
	_ =	sdelay $0x3  }
0x37: {  	[smem:$0x3F61] =	sst s10  }
0x38: {  	s10 =	sld [smem:$0x3F62]  }
0x39: {  	_ = 	snop;
	(pc) =	sbr.ind lr, $3  }
0x3a: {  	_ = 	snop  }
0x3b: {  	_ = 	snop  }
0x3c: {  	p2 =	seq.s32 s10, $0x1;
	s10 =	sld [smem:$0x3F61]  }
0x3d: {  	_ =	shalt  }
0x3e: {  	_ =	shalt  }
0x3f: {  	_ =	shalt  }
0x40: {  	_ =	shalt  }
0x41: {  	_ =	shalt  }
0x42: {  	_ =	shalt  }
0x43: {  	_ =	shalt  }
0x44: {  	_ =	shalt  }
0x45: {  	_ =	shalt  }
0x46: {  	_ =	shalt  }
0x47: {  	_ =	shalt  }
0x48: {  	_ =	shalt  }
0x49: {  	_ =	shalt  }
0x4a: {  	_ =	shalt  }
0x4b: {  	_ =	shalt  }
0x4c: {  	_ =	shalt  }
0x4d: {  	_ =	shalt  }
0x4e: {  	_ =	shalt  }
0x4f: {  	_ =	shalt  }
0x50: {  	_ =	shalt  }
0x51: {  	_ =	shalt  }
0x52: {  	_ =	shalt  }
0x53: {  	_ =	shalt  }
0x54: {  	_ =	shalt  }
0x55: {  	_ =	shalt  }
0x56: {  	_ =	shalt  }
0x57: {  	_ =	shalt  }
0x58: {  	_ =	shalt  }
0x59: {  	_ =	shalt  }
0x5a: {  	_ =	shalt  }
0x5b: {  	_ =	shalt  }
0x5c: {  	_ =	shalt  }
0x5d: {  	_ =	shalt  }
0x5e: {  	_ =	shalt  }
0x5f: {  	_ =	shalt  }
0x60: {  	_ =	shalt  }
0x61: {  	_ =	shalt  }
0x62: {  	_ =	shalt  }
0x63: {  	_ =	shalt  }
0x64: {  	_ =	shalt  }
0x65: {  	_ =	shalt  }
0x66: {  	_ =	shalt  }
0x67: {  	_ =	shalt  }
0x68: {  	_ =	shalt  }
0x69: {  	_ =	shalt  }
0x6a: {  	_ =	shalt  }
0x6b: {  	_ =	shalt  }
0x6c: {  	_ =	shalt  }
0x6d: {  	_ =	shalt  }
0x6e: {  	_ =	shalt  }
0x6f: {  	_ =	shalt  }
0x70: {  	_ =	shalt  }
0x71: {  	_ =	shalt  }
0x72: {  	_ =	shalt  }
0x73: {  	_ =	shalt  }
0x74: {  	_ =	shalt  }
0x75: {  	_ =	shalt  }
0x76: {  	_ =	shalt  }
0x77: {  	_ =	shalt  }
0x78: {  	_ =	shalt  }
0x79: {  	_ =	shalt  }
0x7a: {  	_ =	shalt  }
0x7b: {  	_ =	shalt  }
0x7c: {  	_ =	shalt  }
0x7d: {  	_ =	shalt  }
0x7e: {  	_ =	shalt  }
0x7f: {  	_ =	shalt  }
0x80: {  	_ =	shalt  }
0x81: {  	_ =	shalt  }
0x82: {  	_ =	shalt  }
0x83: {  	_ =	shalt  }
0x84: {  	_ =	shalt  }
0x85: {  	_ =	shalt  }
0x86: {  	_ =	shalt  }
0x87: {  	_ =	shalt  }
.Lfunc_end0:
.L_simem_size_0:
called_computation_lowered:
.L_overlay_start_0:
0x88: {  	s2 =	sld [smem:$0x3FD9]  }
0x89: {  	s3 =	sld [smem:$0x3FFE];
	_ =	sdelay $0x1  }
0x8a: {  	s1 =	srdreg.scid  }
0x8b: {  	s0 =	sand.u32 $0x1, s1  }
0x8c: {  	s14 =	sshll.u32 s0, $0xA;
	s2 =	sadd.s32 s3, s2  }
0x8d: {  	s2 =	sadd.s32 s2, s14  }
0x8e: {  	[smem:$0x3F6D] =	sst s2  }
0x8f: {  	_ = 	snop  }
0x90: {  	s2 =	sld [smem:$0x3FD0];
	_ =	sdelay $0x2  }
0x91: {  	s15 =	simm.s32 $0xA;
	s4 =	simm.s32 $0x10  }
0x92: {  	[smem:s4], [sflag:s15] =	dma.local [hbm:s2], $0x1  }
0x93: {  	_ =	swait.eq [sflag:s15], $0x1  }
0x94: {  	[sflag:s15] =	ssyncset.done $0x0  }
0x95: {  	[sflag:s15] =	ssyncadd.s32 $0xFFFFFFFF  }
0x96: {  	s16 =	sld [smem:$0x11];
	(tm) =	ssettm $0x1  }
0x97: {  	s17 =	sld [smem:$0x3FFB];
	_ =	sdelay $0x3  }
0x98: {  	_ =	strace s17  }
0x99: {  	s3 =	sld [smem:$0x3FFC];
	_ =	sdelay $0x3  }
0x9a: {  	_ =	strace s3  }
0x9b: {  	s3 =	sld [smem:$0x3FFD];
	_ =	sdelay $0x3  }
0x9c: {  	_ =	strace s3  }
0x9d: {  	_ =	strace $0x8FFFFFFF  }
0x9e: {  	s18 =	sld [smem:$0x3FDB];
	_ =	sdelay $0x1  }
0x9f: {  	s19 =	simm.s32 $_scs_section_size  }
0xa0: {  	s5 =	simm.s32 $_size__tile_overlayer_lowered;
	s6 =	simm.s32 $_tile_overlayer_lowered  }
0xa1: {  	s22 =	simm.s32 $0x1BFF;
	s21 =	sshll.u32 s6, $0x1;
	s3 =	sadd.s32 s19, s18  }
0xa2: {  	s7 =	simm.s32 $0x0;
	s20 =	sshll.u32 s5, $0x1;
	s5 =	sadd.s32 s21, s3  }
0xa3: {  	[timem:s7], [sflag:s22] =	dma.local [hbm:s5], s20  }
0xa4: {  	_ =	swait.ge [sflag:s22], s20  }
0xa5: {  	s4 =	ssub.s32 $0x0, s20;
	[sflag:s22] =	ssyncset.done $0x0  }
0xa6: {  	[sflag:s22] =	ssyncadd.s32 s4;
	_ =	sdelay $0x1  }
0xa7: {  	s23 =	simm.s32 $0x1B8B  }
0xa8: {  	_ =	swait.ge [sflag:s23], $0x1  }
0xa9: {  	[sflag:s23] =	ssyncset.done $0x0  }
0xaa: {  	s25 =	simm.s32 $0x1B8E;
	s24 =	sld [smem:$0x3FFE];
	[sflag:s23] =	ssyncadd.s32 $0xFFFFFFFF  }
0xab: {  	s26 =	simm.s32 $execute0_lowered;
	[smem:$0x3FD2] =	sst s25  }
0xac: {  	s5 =	sshll.u32 s26, $0x1;
	_ =	strace $0x80000046;
	[dreg:$0x1] =	wrdreg $0xFFFFFFFF  }
0xad: {  	s28 =	simm.s32 $_size_execute0_lowered;
	s3 =	sadd.s32 s3, s5;
	[dreg:$0x0] =	wrdreg $0x0  }
0xae: {  	s5 =	sshll.u32 s28, $0x1;
	[dreg:$0x2] =	wrdreg s3  }
0xaf: {  	[dreg:$0x3] =	wrdreg s5  }
0xb0: {  	[dreg:$0x4] =	wrdreg $0xC0  }
0xb1: {  	_ =	task [dreg:s7], $0x5FFFF  }
0xb2: {  	[dreg:$0x1] =	wrdreg $0xFFFFFFFF  }
0xb3: {  	[dreg:$0x0] =	wrdreg $0x60  }
0xb4: {  	[dreg:$0x2] =	wrdreg s24  }
0xb5: {  	[dreg:$0x3] =	wrdreg s16  }
0xb6: {  	[dreg:$0x4] =	wrdreg $0x9  }
0xb7: {  	_ =	task.clear_ibuf [dreg:s7], $0x5FFFF;
	_ =	strace $0x90000046  }
0xb8: {  	s29 =	simm.s32 $0x9;
	_ =	strace $0x80000048  }
0xb9: {  	_ =	swait.ge [sflag:s29], $0x1  }
0xba: {  	[sflag:s29] =	ssyncadd.s32 $0xFFFFFFFF  }
0xbb: {  	_ =	strace $0x90000048  }
0xbc: {  	_ =	sfence  }
0xbd: {  	s30 =	sld [smem:$0x0];
	_ =	sdelay $0x2  }
0xbe: {  	s31 =	sshll.u32 s1, $0xD;
	s1 =	sshrl.u32 s1, $0x2  }
0xbf: {  	s3 =	sand.u32 $0x4000, s31;
	s1 =	sadd.s32 s1, s30  }
0xc0: {  	s0 =	sor.u32 s3, s0;
	s1 =	sshll.u32 s1, $0x11  }
0xc1: {  	s0 =	sor.u32 s1, s0  }
0xc2: {  	s0 =	sadd.s32 $0x8F2B, s0  }
0xc3: {  	[sflag:s0] =	ssyncadd.remote.s32 $0x1  }
0xc4: {  	_ =	sfence.sel $0xFFFF  }
0xc5: {  	[dreg:$0x0] =	wrdreg $0xFFFFFFFF;
	(pc) =	sbr.abs _section_cstart, $3  }
0xc6: {  	[dreg:$0x1] =	wrdreg $0xFFFFFFFF  }
0xc7: {  	_ =	task.clear_ibuf [dreg:s7], $0x2FFFF;
	_ =	strace $0x9FFFFFFF  }
0xc8: {  	(tm) =	ssettm $0x7FFFFFFF  }
0xc9: {  	_ =	shalt  }
tec
execute0_lowered:
.L_overlay_start_1:
0x0: {  	(tag) =	ssettag $0x1  }
0x1: {  	s7 =	rddreg [dreg:$0x0]  }
0x2: {  	s2 =	rddreg [dreg:$0x1]  }
0x3: {  	s0 =	rddreg [dreg:$0x2]  }
0x4: {  	s1 =	srdreg.scid;
	_ =	strace $0x80000047;
	s4 =	simm.s32 $0x1  }
0x5: {  	s9 =	simm.s32 $0x3;
	s12 =	simm.s32 $0x0;
	s5 =	sshll.u32 s1, $0x4  }
.Ltmp0:
0x6: {  	s1 =	stileid.u32;
	s5 =	sand.u32 $0x10, s5;
	(pc) =	sbr.rel .LBB2_1-.Ltmp0, $4  }
0x7: {  	s10 =	simm.s32 $0x0;
	s3 =	sadd.s32 $0x200, s7;
	s6 =	sor.u32 s1, s5  }
0x8: {  	[sflag:s4] =	ssyncpa.u1 $0x0;
	s5 =	simm.s32 $0x2;
	s6 =	sshll.u32 s6, $0x8  }
0x9: {  	s7 =	sadd.s32 $0x80200, s7;
	[sflag:s5] =	ssyncpa.u1 $0x0;
	s8 =	sadd.s32 $0x100, s6  }
0xa: {  	vm0 =	vmmov $0xff;
	vm1 =	vcmask $0x3F20;
	[sflag:s9] =	ssyncpa.u1 $0x0;
	s9 =	simm.s32 $0x100;
	s11 =	smov.u32 s6  }
.LBB2_9:
0xb: {  	p0 =	seq.s32 s10, $0x2  }
.Ltmp1:
0xc: {  	_ = 	snop;
	(pc) =	sbr.rel @p0 .LBB2_11-.Ltmp1, $1  }
0xd: {  	_ =	sdelay $0x3  }
.LBB2_10:
0xe: {  	s12 =	sadd.s32 $0x100, s11  }
0xf: {  	s13 =	smov.u32 s6;
	p0 =	slt.s32 s12, s8  }
0x10: {  	s13 =	smov.u32 @p0 s12  }
0x11: {  	s10 =	sadd.s32 $0x1, s10;
	s12 =	smov.u32 s11;
	s11 =	smov.u32 s13  }
.LBB2_1:
0x12: {  	p0 =	sne.s32 s10, $0x0  }
.Ltmp2:
0x13: {  	_ = 	snop;
	(pc) =	sbr.rel @!p0 .LBB2_2-.Ltmp2, $1  }
0x14: {  	_ =	sdelay $0x3  }
0x15: {  	s13 =	sand.u32 $0x1, s10  }
0x16: {  	p0 =	seq.s32 s13, $0x0  }
.Ltmp3:
0x17: {  	_ = 	snop;
	(pc) =	sbr.rel @p0 .LBB2_9-.Ltmp3, $1  }
0x18: {  	_ =	sdelay $0x3  }
0x19: {  	_ =	swait.ge [sflag:s5], $0x100  }
0x1a: {  	[sflag:s5] =	ssyncset.done $0x0  }
0x1b: {  	s13 =	simm.s32 $0x0;
	[sflag:s5] =	ssyncadd.s32 $0xFFFFFF00  }
0x1c: {  	v0 =	vld.msk [tilespmem:s13+$0x100 ss:$0x1], $0xffff;
	_ =	sdelay $0x4  }
0x1d: {  	v1 =	vshll.u32 v0, $0x4  }
0x1e: {  	vm2 =	veq.s32 v0, $0x80000000;
	v0 =	vshll.u32 v0, $0x13;
	v1 =	vand.u32 $0x7FF80, v1  }
0x1f: {  	v0 =	vand.u32 $0x380000, v0;
	v1 =	vsel vm2, $0xFFFFFF80, v1  }
0x20: {  	v0 =	vsel vm2, $0xFFF80000, v0;
	v2 =	vand.u32 $0xFFFFFC00, v1  }
0x21: {  	v1 =	vand.u32 $0x380, v1;
	v0 =	vadd.s32 v0, v2  }
0x22: {  	v0 =	vor.u32 v1, v0  }
0x23: {  	v0 =	vshrl.u32 v0, $0x3;
	_ =	sdelay $0x3  }
0x24: {  	s13 =	simm.s32 $0x8200  }
0x25: {  	[tilespmem:s13], [sflag:$0x1] =	stream.indirect_vreg.gather [hbm:s3], $0x80, v0, vm0, $0x38;
	[tilespmem:$0x10200] =	vst v63  }
0x26: {  	s14 =	simm.s32 $0x8600;
	s31 =	simm.s32 $0x10  }
0x27: {  	[tilespmem:s14], [sflag:$0x1] =	stream.indirect_vreg.gather [hbm:s3], $0x80, v0, vm1, $0x38;
	[tilespmem:$0x10200] =	vst v63  }
0x28: {  	s14 =	simm.s32 $0x80;
	v0 =	vld.msk [tilespmem:s31+$0x100 ss:$0x1], $0xffff  }
.LBB2_5:
0x29: {  	p0 =	sne.s32 s14, $0x3C0;
	_ =	sdelay $0x4  }
0x2a: {  	v1 =	vshll.u32 v0, $0x4  }
0x2b: {  	vm2 =	veq.s32 v0, $0x80000000;
	v0 =	vshll.u32 v0, $0x13;
	v1 =	vand.u32 $0x7FF80, v1  }
0x2c: {  	v0 =	vand.u32 $0x380000, v0;
	v1 =	vsel vm2, $0xFFFFFF80, v1  }
0x2d: {  	v0 =	vsel vm2, $0xFFF80000, v0;
	v2 =	vand.u32 $0xFFFFFC00, v1  }
0x2e: {  	v1 =	vand.u32 $0x380, v1;
	v0 =	vadd.s32 v0, v2  }
0x2f: {  	v0 =	vor.u32 v1, v0  }
0x30: {  	v0 =	vshrl.u32 v0, $0x3;
	_ =	sdelay $0x3  }
.Ltmp4:
0x31: {  	s13 =	sadd.s32 $0x800, s13;
	(pc) =	sbr.rel @p0 .LBB2_5-.Ltmp4, $4  }
0x32: {  	[tilespmem:s13], [sflag:$0x1] =	stream.indirect_vreg.gather [hbm:s3], $0x80, v0, vm0, $0x38;
	[tilespmem:$0x10200] =	vst v63  }
0x33: {  	s15 =	sshra.s32 s14, $0x2;
	s16 =	sadd.s32 $0x400, s13  }
0x34: {  	[tilespmem:s16], [sflag:$0x1] =	stream.indirect_vreg.gather [hbm:s3], $0x80, v0, vm1, $0x38;
	[tilespmem:$0x10200] =	vst v63  }
0x35: {  	s14 =	sadd.s32 $0x40, s14;
	v0 =	vld.msk [tilespmem:s15+$0x100 ss:$0x1], $0xffff  }
0x36: {  	_ =	sdelay $0x3  }
0x37: {  	v1 =	vshll.u32 v0, $0x4  }
0x38: {  	vm2 =	veq.s32 v0, $0x80000000;
	v63 =	vshll.u32 v0, $0x13;
	v1 =	vand.u32 $0x7FF80, v1  }
0x39: {  	v0 =	vand.u32 $0x380000, v63;
	v1 =	vsel vm2, $0xFFFFFF80, v1  }
0x3a: {  	v0 =	vsel vm2, $0xFFF80000, v0;
	v2 =	vand.u32 $0xFFFFFC00, v1  }
0x3b: {  	v1 =	vand.u32 $0x380, v1;
	v0 =	vadd.s32 v0, v2  }
0x3c: {  	v0 =	vor.u32 v1, v0  }
0x3d: {  	v0 =	vshrl.u32 v0, $0x3;
	_ =	sdelay $0x3  }
0x3e: {  	s13 =	sadd.s32 $0x800, s13  }
0x3f: {  	[tilespmem:s13], [sflag:$0x1] =	stream.indirect_vreg.gather [hbm:s3], $0x80, v0, vm0, $0x38;
	[tilespmem:$0x10200] =	vst v63  }
0x40: {  	s13 =	sadd.s32 $0x400, s13  }
0x41: {  	[tilespmem:s13], [sflag:$0x1] =	stream.indirect_vreg.gather [hbm:s3], $0x80, v0, vm1, $0x38;
	[tilespmem:$0x10200] =	vst v63  }
0x42: {  	s12 =	sshll.u32 s12, $0x4;
	s14 =	simm.s32 $0x80;
	_ =	swait.ge [sflag:s4], $0x8000  }
0x43: {  	s15 =	simm.s32 $0x8600;
	s12 =	sadd.s32 s12, s7;
	[sflag:s4] =	ssyncset.done $0x0  }
0x44: {  	s16 =	sadd.s32 $0x0, s12;
	s13 =	simm.s32 $0x8200;
	[sflag:s4] =	ssyncadd.s32 $0xFFFF8000  }
.LBB2_7:
0x45: {  	[hbm:s16] =	stream.linear.scatter [tilespmem:s13], [sflag:$0x3], $0x400, $0x38;
	[tilespmem:$0x10200] =	vst v63  }
0x46: {  	s16 =	smov.u32 s14;
	s13 =	smov.u32 s15;
	p0 =	sne.s32 s14, $0xF80  }
.Ltmp5:
0x47: {  	s14 =	sadd.s32 $0x80, s14;
	(pc) =	sbr.rel @p0 .LBB2_7-.Ltmp5, $2  }
0x48: {  	_ =	sdelay $0x2  }
0x49: {  	s15 =	sadd.s32 $0x400, s15;
	s16 =	sadd.s32 s16, s12  }
.Ltmp6:
0x4a: {  	(pc) =	sbr.rel .LBB2_9-.Ltmp6, $2  }
0x4b: {  	_ =	sdelay $0x2  }
0x4c: {  	[hbm:s16] =	stream.linear.scatter [tilespmem:s13], [sflag:$0x3], $0x400, $0x38;
	[tilespmem:$0x10200] =	vst v63  }
.LBB2_2:
.Ltmp7:
0x4d: {  	(pc) =	sbr.rel .LBB2_10-.Ltmp7, $4  }
0x4e: {  	_ = 	snop  }
0x4f: {  	s12 =	sshrl.u32 s11, $0x3  }
0x50: {  	s13 =	sand.u32 $0x7, s11;
	s12 =	sadd.s32 s2, s12  }
0x51: {  	[tilespmem:s9], [sflag:$0x2] =	stream.linear.gather [hbm4b:s12+s13], $0x100, $0x38;
	[tilespmem:$0x10200] =	vst v63  }
.LBB2_11:
0x52: {  	s2 =	simm.s32 $0x3  }
0x53: {  	_ =	swait.ge [sflag:s2], $0x8000  }
0x54: {  	[sflag:s2] =	ssyncset.done $0x0  }
0x55: {  	[sflag:s2] =	ssyncadd.s32 $0xFFFF8000  }
0x56: {  	_ =	sfence.sel $0x180000  }
0x57: {  	s3 =	simm.s32 $0x2;
	[bflag:$0x0] =	sbarrier.arrive $0xFFFF  }
0x58: {  	[sflag:s3] =	ssyncpa.u1 $0x1  }
0x59: {  	s31 =	simm.s32 $0x1;
	[sflag:s2] =	ssyncpa.u1 $0x1  }
0x5a: {  	[sflag:s31] =	ssyncpa.u1 $0x1  }
0x5b: {  	p0 =	sne.s32 s1, $0x0;
	_ =	strace $0x90000047  }
0x5c: {  	s0 =	sadd.s32 @!p0 $0x100000, s0;
	[bflag:$0x2] =	sbarrier.arrive $0xFFFF  }
0x5d: {  	[sflag:s0] =	ssyncadd.tile.s32 @!p0 $0x1;
	_ =	shalt  }
.Lfunc_end2:
_tile_overlayer_lowered:
.L_overlay_start_2:
0x5e: {  	(tag) =	ssettag $0x2  }
0x5f: {  	s0 =	rddreg [dreg:$0x0];
	s2 =	stileid.u32  }
0x60: {  	s1 =	rddreg [dreg:$0x1];
	p0 =	sne.s32 s2, $0x0  }
0x61: {  	s3 =	rddreg [dreg:$0x2];
	[bflag:$0x3] =	sbarrier.arrive $0xFFFF;
	s2 =	simm.s32 @!p0 $0x1C01  }
0x62: {  	[timem:s3], [sflag:s2] =	dma.local @!p0 [hbm:s0], s1  }
0x63: {  	s0 =	simm.s32 @!p0 $0x1  }
0x64: {  	_ =	swait.ge @!p0 [sflag:s0], s1  }
0x65: {  	s1 =	ssub.s32 @!p0 $0x0, s1;
	[sflag:s0] =	ssyncset.done @!p0 $0x0  }
0x66: {  	[sflag:s0] =	ssyncadd.s32 @!p0 s1  }
0x67: {  	[bflag:$0x3] =	sbarrier.arrive $0xFFFF  }
0x68: {  	_ =	shalt  }

</sc_bundles>
